<compile_context>
chip_gen: v7x
topology: tpu7x:2x2x1
jax: 0.10.2.dev20260603
libtpu: 0.0.44.dev20260713+nightly
codegen_flags: <defaults>
</compile_context>

<pallas_src>
import jax
import jax.numpy as jnp
from jax import lax
from jax.experimental import pallas as pl
from jax.experimental.pallas import tpu as pltpu
from jax.experimental.pallas import tpu_sc as plsc

_N_CLASSES = 100000
_D = 64
_DP = 128
_BATCH = 1024
_INV_TEMP = 20.0
_LOG2E = 1.4426950408889634
_EXP2_SCALE = _INV_TEMP * _LOG2E
_BLK = 4000
_NSTEPS = _N_CLASSES // _BLK

_NC = 2
_NS = 16
_NW = _NC * _NS
_B_PER_W = _BATCH // _NW
_LANES = 16


def _idiv_blk(t16):
    return ((t16.astype(jnp.float32) + 0.5) * (1.0 / _BLK)).astype(jnp.int32)


def _sc_gather_body(table_hbm, idx_hbm, out_hbm, idx_v, grp_v, rows_v, out_v, sem):
    wid = lax.axis_index("s") * _NC + lax.axis_index("c")
    base = wid * _B_PER_W
    pltpu.sync_copy(idx_hbm.at[pl.ds(base, _B_PER_W)], idx_v)
    for c in range(_B_PER_W // _LANES):
        t16 = idx_v[pl.ds(c * _LANES, _LANES)]
        b16 = _idiv_blk(t16)
        r16 = t16 - b16 * _BLK
        pos16 = jnp.where(r16 >= _BLK // 2, r16 - _BLK // 2, r16)
        grp_v[pl.ds(c * _LANES, _LANES)] = b16 * (_BLK // 2) + pos16
    pltpu.async_copy(table_hbm.at[grp_v], rows_v, sem).wait()
    lane = lax.iota(jnp.int32, _LANES)
    for c in range(_B_PER_W // _LANES):
        t16 = idx_v[pl.ds(c * _LANES, _LANES)]
        r16 = t16 - _idiv_blk(t16) * _BLK
        h16 = jnp.where(r16 >= _BLK // 2, _D, 0)
        i16 = lane + (c * _LANES)

        def sel(j, _):
            j16 = jnp.full((_LANES,), 0, jnp.int32) + j
            vals = plsc.load_gather(rows_v, [i16, h16 + j16])
            plsc.store_scatter(out_v, [i16, j16], vals)
            return 0

        lax.fori_loop(0, _D, sel, 0)
    pltpu.sync_copy(out_v, out_hbm.at[pl.ds(base, _B_PER_W)])


def _sc_gather(fpairs, targets):
    run = pl.kernel(
        _sc_gather_body,
        out_type=jax.ShapeDtypeStruct((_BATCH, _D), jnp.float32),
        mesh=plsc.VectorSubcoreMesh(
            core_axis_name="c", subcore_axis_name="s",
            num_cores=_NC, num_subcores=_NS),
        scratch_types=[
            pltpu.VMEM((_B_PER_W,), jnp.int32),
            pltpu.VMEM((_B_PER_W,), jnp.int32),
            pltpu.VMEM((_B_PER_W, _DP), jnp.float32),
            pltpu.VMEM((_B_PER_W, _D), jnp.float32),
            pltpu.SemaphoreType.DMA,
        ],
        compiler_params=pltpu.CompilerParams(needs_layout_passes=False),
    )
    return run(fpairs, targets)


def _tc_sumexp_body(xT_ref, f_ref, acc_ref, rinv_ref, fpr_ref, xnTb_ref):
    i = pl.program_id(0)

    @pl.when(i == 0)
    def _init():
        xT = xT_ref[...]
        n2 = jnp.sum(xT * xT, axis=0, keepdims=True)
        r = lax.rsqrt(jnp.maximum(n2, 1e-24))
        rinv_ref[...] = r
        xnTb_ref[...] = (xT * (r * _EXP2_SCALE)).astype(jnp.bfloat16)
        acc_ref[...] = jnp.zeros_like(acc_ref)

    fb = f_ref[...]
    fpr_ref[:, 0:_D] = fb[0:_BLK // 2, :]
    fpr_ref[:, _D:_DP] = fb[_BLK // 2:_BLK, :]
    fb16 = fb.astype(jnp.bfloat16)
    logits = lax.dot_general(
        fb16, xnTb_ref[...],
        (((1,), (0,)), ((), ())),
        preferred_element_type=jnp.float32,
    )
    e = jnp.exp2(logits)
    acc_ref[...] += jnp.sum(e, axis=0, keepdims=True)


def _tc_sumexp(xT, features):
    return pl.pallas_call(
        _tc_sumexp_body,
        grid=(_NSTEPS,),
        in_specs=[
            pl.BlockSpec((_D, _BATCH), lambda i: (0, 0)),
            pl.BlockSpec((_BLK, _D), lambda i: (i, 0)),
        ],
        out_specs=[
            pl.BlockSpec((1, _BATCH), lambda i: (0, 0)),
            pl.BlockSpec((1, _BATCH), lambda i: (0, 0)),
            pl.BlockSpec((_BLK // 2, _DP), lambda i: (i, 0)),
        ],
        out_shape=[
            jax.ShapeDtypeStruct((1, _BATCH), jnp.float32),
            jax.ShapeDtypeStruct((1, _BATCH), jnp.float32),
            jax.ShapeDtypeStruct((_N_CLASSES // 2, _DP), jnp.float32),
        ],
        scratch_shapes=[pltpu.VMEM((_D, _BATCH), jnp.bfloat16)],
        compiler_params=pltpu.CompilerParams(
            dimension_semantics=("arbitrary",),
        ),
    )(xT, features)


def _tc_combine_body(acc_ref, rinv_ref, xTp_ref, gT_ref, out_ref):
    tl_sum = jnp.sum(
        xTp_ref[...] * gT_ref[...] * rinv_ref[...],
        axis=(0, 1), keepdims=True)
    lse_sum = jnp.sum(jnp.log(acc_ref[...]), axis=(0, 1), keepdims=True)
    out_ref[...] = (lse_sum - tl_sum * _INV_TEMP) * (1.0 / _BATCH)


def _tc_combine(acc, rinv, xTp, gT):
    return pl.pallas_call(
        _tc_combine_body,
        out_shape=jax.ShapeDtypeStruct((1, 1), jnp.float32),
    )(acc, rinv, xTp, gT)


def kernel(inputs, features, targets, uncertain_num):
    del uncertain_num
    xT = jnp.transpose(inputs)
    acc, rinv, fpairs = _tc_sumexp(xT, features)
    g = _sc_gather(fpairs, targets)
    gT = jnp.transpose(g)
    loss = _tc_combine(acc, rinv, xT, gT)[0, 0]
    zero = jnp.zeros((1,), jnp.float32)
    return (loss, zero, zero)

# --- scband reference (transcript-rebuilt; emitter-appended) ---
"""Pipeline reference for scband-uncertain-cluster-memory-2473901163211 (READ-ONLY COPY).

The authoritative reference and input builder live on the scoring server;
editing this copy changes nothing except your own understanding.
"""

import jax, jax.numpy as jnp
import numpy as np

NUM_SAMPLES = 100000
NUM_FEATURES = 64
TEMP = 0.05


def setup_inputs(seed: int = 0) -> dict:
    key = jax.random.key(seed)
    k1, k2, k3 = jax.random.split(key, 3)
    inputs = jax.random.normal(k1, (1024, NUM_FEATURES), dtype=jnp.float32)
    targets = jax.random.randint(k2, (1024,), 0, NUM_SAMPLES, dtype=jnp.int32)
    # Cluster memory bank (registered buffer). Torch initializes to zeros, but a
    # trained memory holds L2-normalized cluster centroids; materialize as such.
    features = jax.random.normal(k3, (NUM_SAMPLES, NUM_FEATURES), dtype=jnp.float32)
    features = features / jnp.linalg.norm(features, axis=1, keepdims=True)
    return {"inputs": inputs, "features": features, "targets": targets, "uncertain_num": 0}


def reference(inputs, features, targets, uncertain_num):
    # F.normalize(inputs, dim=1)
    x = inputs / jnp.maximum(jnp.linalg.norm(inputs, axis=1, keepdims=True), 1e-12)
    # uncertain_num == 0 branch: uncertain loss / lam are zero tensors
    uncertain_loss = jnp.array([0.0], dtype=jnp.float32)
    lam = jnp.array([0.0], dtype=jnp.float32)
    # CM.forward: inputs.mm(features.t())
    logits = (x @ features.T) / TEMP
    # F.cross_entropy(outputs, targets)
    logp = jax.nn.log_softmax(logits, axis=1)
    loss = -jnp.mean(jnp.take_along_axis(logp, targets[:, None], axis=1))
    return (loss, uncertain_loss, lam)

if __name__ == "__main__":
    import jax
    _d = setup_inputs()
    print(jax.jit(kernel)(*tuple(_d.values())))

</pallas_src>

<mosaic_0001>
#map = affine_map<(d0, d1) -> (0, 0)>
#map1 = affine_map<(d0, d1) -> (0)>
module attributes {stable_mosaic.version = 14 : i64} {
  func.func @_sc_gather_body(%arg0: i32, %arg1: i32, %arg2: memref<50000x128xf32, #tpu.memory_space<hbm>>, %arg3: memref<1024xi32, #tpu.memory_space<hbm>>, %arg4: memref<1024x64xf32, #tpu.memory_space<hbm>>, %arg5: memref<32xi32, #tpu.memory_space<vmem>>, %arg6: memref<32xi32, #tpu.memory_space<vmem>>, %arg7: memref<32x128xf32, #tpu.memory_space<vmem>>, %arg8: memref<32x64xf32, #tpu.memory_space<vmem>>, %arg9: memref<!tpu.dma_semaphore, #tpu.memory_space<semaphore_mem>>) attributes {dimension_semantics = [#tpu.dimension_semantics<core_parallel>, #tpu.dimension_semantics<subcore_parallel>], iteration_bounds = array<i64: 2, 16>, scalar_prefetch = 0 : i64, scratch_operands = 5 : i64, tpu.core_type = #tpu.core_type<sc_vector_subcore>, window_params = [{transform_indices = #map}, {transform_indices = #map1}, {transform_indices = #map}]} {
    %mul3A = arith.constant 2 : i32
    %mul3A_0 = arith.muli %arg1, %mul3A : i32
    %add3A = arith.addi %mul3A_0, %arg0 : i32
    %mul3A_1 = arith.constant 32 : i32
    %mul3A_2 = arith.muli %add3A, %mul3A_1 : i32
    "tpu.region"() ({
      %run_scoped3A = tpu.sem_alloc : memref<!tpu.dma_semaphore, #tpu.memory_space<semaphore_mem>>
      %dma_start3A_116 = tpu.memref_slice %arg3[%mul3A_2] : memref<1024xi32, #tpu.memory_space<hbm>> -> memref<32xi32, #tpu.memory_space<hbm>>
      %dma_start3A_117 = tpu.memref_slice %arg3[%mul3A_2] : memref<1024xi32, #tpu.memory_space<hbm>> -> memref<32xi32, #tpu.memory_space<hbm>>
      tpu.enqueue_dma source(%dma_start3A_117 : memref<32xi32, #tpu.memory_space<hbm>>) target(%arg5 : memref<32xi32, #tpu.memory_space<vmem>>) target_semaphore(%run_scoped3A : memref<!tpu.dma_semaphore, #tpu.memory_space<semaphore_mem>>)
      %dma_wait3A_118 = tpu.memref_slice %arg3[%mul3A_2] : memref<1024xi32, #tpu.memory_space<hbm>> -> memref<32xi32, #tpu.memory_space<hbm>>
      %dma_wait3A_119 = tpu.memref_slice %arg3[%mul3A_2] : memref<1024xi32, #tpu.memory_space<hbm>> -> memref<32xi32, #tpu.memory_space<hbm>>
      tpu.wait_dma2 semaphore(%run_scoped3A : memref<!tpu.dma_semaphore, #tpu.memory_space<semaphore_mem>>) src(%dma_wait3A_119 : memref<32xi32, #tpu.memory_space<hbm>>) dst(%arg5 : memref<32xi32, #tpu.memory_space<vmem>>)
      tpu.yield
    }) : () -> ()
    %get3A = arith.constant 0 : index
    %get3A_3 = tpu.vector_load %arg5[%get3A] {strides = array<i32>} : memref<32xi32, #tpu.memory_space<vmem>>, vector<16xi32>,
    %convert_element_type3A = arith.sitofp %get3A_3 : vector<16xi32> to vector<16xf32>
    %add3A_4 = arith.constant 5.000000e-01 : f32
    %add3A_5 = vector.broadcast %add3A_4 : f32 to vector<16xf32>
    %add3A_6 = arith.addf %convert_element_type3A, %add3A_5 : vector<16xf32>
    %mul3A_7 = arith.constant 2.500000e-04 : f32
    %mul3A_8 = vector.broadcast %mul3A_7 : f32 to vector<16xf32>
    %mul3A_9 = arith.mulf %add3A_6, %mul3A_8 : vector<16xf32>
    %convert_element_type3A_10 = arith.fptosi %mul3A_9 : vector<16xf32> to vector<16xi32>
    %mul3A_11 = arith.constant 4000 : i32
    %mul3A_12 = vector.broadcast %mul3A_11 : i32 to vector<16xi32>
    %mul3A_13 = arith.muli %convert_element_type3A_10, %mul3A_12 : vector<16xi32>
    %sub3A = arith.subi %get3A_3, %mul3A_13 : vector<16xi32>
    %ge3A = arith.constant 2000 : i32
    %ge3A_14 = vector.broadcast %ge3A : i32 to vector<16xi32>
    %ge3A_15 = arith.cmpi sge, %sub3A, %ge3A_14 : vector<16xi32>
    %sub3A_16 = arith.constant 2000 : i32
    %sub3A_17 = vector.broadcast %sub3A_16 : i32 to vector<16xi32>
    %sub3A_18 = arith.subi %sub3A, %sub3A_17 : vector<16xi32>
    %select_n3A = arith.select %ge3A_15, %sub3A_18, %sub3A : vector<16xi1>, vector<16xi32>
    %mul3A_19 = arith.constant 2000 : i32
    %mul3A_20 = vector.broadcast %mul3A_19 : i32 to vector<16xi32>
    %mul3A_21 = arith.muli %convert_element_type3A_10, %mul3A_20 : vector<16xi32>
    %add3A_22 = arith.addi %mul3A_21, %select_n3A : vector<16xi32>
    %swap3A = arith.constant 0 : index
    %swap3A_23 = tpu.vector_load %arg6[%swap3A] {strides = array<i32>} : memref<32xi32, #tpu.memory_space<vmem>>, vector<16xi32>,
    tpu.vector_store %arg6[%swap3A], %add3A_22 {strides = array<i32>} : memref<32xi32, #tpu.memory_space<vmem>>, vector<16xi32>,
    %get3A_24 = arith.constant 16 : index
    %get3A_25 = tpu.vector_load %arg5[%get3A_24] {strides = array<i32>} : memref<32xi32, #tpu.memory_space<vmem>>, vector<16xi32>,
    %convert_element_type3A_26 = arith.sitofp %get3A_25 : vector<16xi32> to vector<16xf32>
    %add3A_27 = arith.constant 5.000000e-01 : f32
    %add3A_28 = vector.broadcast %add3A_27 : f32 to vector<16xf32>
    %add3A_29 = arith.addf %convert_element_type3A_26, %add3A_28 : vector<16xf32>
    %mul3A_30 = arith.constant 2.500000e-04 : f32
    %mul3A_31 = vector.broadcast %mul3A_30 : f32 to vector<16xf32>
    %mul3A_32 = arith.mulf %add3A_29, %mul3A_31 : vector<16xf32>
    %convert_element_type3A_33 = arith.fptosi %mul3A_32 : vector<16xf32> to vector<16xi32>
    %mul3A_34 = arith.constant 4000 : i32
    %mul3A_35 = vector.broadcast %mul3A_34 : i32 to vector<16xi32>
    %mul3A_36 = arith.muli %convert_element_type3A_33, %mul3A_35 : vector<16xi32>
    %sub3A_37 = arith.subi %get3A_25, %mul3A_36 : vector<16xi32>
    %ge3A_38 = arith.constant 2000 : i32
    %ge3A_39 = vector.broadcast %ge3A_38 : i32 to vector<16xi32>
    %ge3A_40 = arith.cmpi sge, %sub3A_37, %ge3A_39 : vector<16xi32>
    %sub3A_41 = arith.constant 2000 : i32
    %sub3A_42 = vector.broadcast %sub3A_41 : i32 to vector<16xi32>
    %sub3A_43 = arith.subi %sub3A_37, %sub3A_42 : vector<16xi32>
    %select_n3A_44 = arith.select %ge3A_40, %sub3A_43, %sub3A_37 : vector<16xi1>, vector<16xi32>
    %mul3A_45 = arith.constant 2000 : i32
    %mul3A_46 = vector.broadcast %mul3A_45 : i32 to vector<16xi32>
    %mul3A_47 = arith.muli %convert_element_type3A_33, %mul3A_46 : vector<16xi32>
    %add3A_48 = arith.addi %mul3A_47, %select_n3A_44 : vector<16xi32>
    %swap3A_49 = arith.constant 16 : index
    %swap3A_50 = tpu.vector_load %arg6[%swap3A_49] {strides = array<i32>} : memref<32xi32, #tpu.memory_space<vmem>>, vector<16xi32>,
    tpu.vector_store %arg6[%swap3A_49], %add3A_48 {strides = array<i32>} : memref<32xi32, #tpu.memory_space<vmem>>, vector<16xi32>,
    %dma_start3A = arith.constant 0 : i32
    %dma_start3A_51 = arith.constant 0 : i32
    %dma_start3A_52 = tpu.memref_slice %arg2[%dma_start3A, %dma_start3A_51] : memref<50000x128xf32, #tpu.memory_space<hbm>> -> memref<50000x128xf32, #tpu.memory_space<hbm>>
    tpu.enqueue_indirect_dma source(%dma_start3A_52 : memref<50000x128xf32, #tpu.memory_space<hbm>>) target(%arg7 : memref<32x128xf32, #tpu.memory_space<vmem>>) offsets(%arg6 : memref<32xi32, #tpu.memory_space<vmem>>) semaphore(%arg9 : memref<!tpu.dma_semaphore, #tpu.memory_space<semaphore_mem>>)
    %dma_wait3A = arith.constant 0 : i32
    %dma_wait3A_53 = arith.constant 0 : i32
    %dma_wait3A_54 = tpu.memref_slice %arg2[%dma_wait3A, %dma_wait3A_53] : memref<50000x128xf32, #tpu.memory_space<hbm>> -> memref<50000x128xf32, #tpu.memory_space<hbm>>
    tpu.wait_indirect_dma semaphore(%arg9 : memref<!tpu.dma_semaphore, #tpu.memory_space<semaphore_mem>>) src(%dma_wait3A_54 : memref<50000x128xf32, #tpu.memory_space<hbm>>) dst(%arg7 : memref<32x128xf32, #tpu.memory_space<vmem>>)
    %iota3A = tpu.iota {dimensions = array<i32: 0>} : vector<16xi32>
    %get3A_55 = arith.constant 0 : index
    %get3A_56 = tpu.vector_load %arg5[%get3A_55] {strides = array<i32>} : memref<32xi32, #tpu.memory_space<vmem>>, vector<16xi32>,
    %convert_element_type3A_57 = arith.sitofp %get3A_56 : vector<16xi32> to vector<16xf32>
    %add3A_58 = arith.constant 5.000000e-01 : f32
    %add3A_59 = vector.broadcast %add3A_58 : f32 to vector<16xf32>
    %add3A_60 = arith.addf %convert_element_type3A_57, %add3A_59 : vector<16xf32>
    %mul3A_61 = arith.constant 2.500000e-04 : f32
    %mul3A_62 = vector.broadcast %mul3A_61 : f32 to vector<16xf32>
    %mul3A_63 = arith.mulf %add3A_60, %mul3A_62 : vector<16xf32>
    %convert_element_type3A_64 = arith.fptosi %mul3A_63 : vector<16xf32> to vector<16xi32>
    %mul3A_65 = arith.constant 4000 : i32
    %mul3A_66 = vector.broadcast %mul3A_65 : i32 to vector<16xi32>
    %mul3A_67 = arith.muli %convert_element_type3A_64, %mul3A_66 : vector<16xi32>
    %sub3A_68 = arith.subi %get3A_56, %mul3A_67 : vector<16xi32>
    %ge3A_69 = arith.constant 2000 : i32
    %ge3A_70 = vector.broadcast %ge3A_69 : i32 to vector<16xi32>
    %ge3A_71 = arith.cmpi sge, %sub3A_68, %ge3A_70 : vector<16xi32>
    %jit3A = arith.constant 64 : i32
    %jit3A_72 = arith.constant 0 : i32
    %broadcast_in_dim3A = vector.broadcast %jit3A : i32 to vector<16xi32>
    %broadcast_in_dim3A_73 = vector.broadcast %jit3A_72 : i32 to vector<16xi32>
    %select_n3A_74 = arith.select %ge3A_71, %broadcast_in_dim3A, %broadcast_in_dim3A_73 : vector<16xi1>, vector<16xi32>
    %add3A_75 = arith.constant 0 : i32
    %add3A_76 = vector.broadcast %add3A_75 : i32 to vector<16xi32>
    %add3A_77 = arith.addi %iota3A, %add3A_76 : vector<16xi32>
    %scan3A = arith.constant 0 : i32
    %scan3A_78 = arith.constant 0 : i32
    %scan3A_79 = arith.constant 64 : i32
    %scan3A_80 = arith.addi %scan3A_78, %scan3A_79 : i32
    %scan3A_81 = arith.constant 1 : i32
    %scan3A_82 = scf.for %scan3A_116 = %scan3A_78 to %scan3A_80 step %scan3A_81 iter_args(%scan3A_117 = %scan3A) -> (i32)  : i32 {
      %broadcast_in_dim3A_118 = arith.constant 0 : i32
      %broadcast_in_dim3A_119 = vector.broadcast %broadcast_in_dim3A_118 : i32 to vector<16xi32>
      %add3A_120 = vector.broadcast %scan3A_116 : i32 to vector<16xi32>
      %add3A_121 = arith.addi %broadcast_in_dim3A_119, %add3A_120 : vector<16xi32>
      %add3A_122 = arith.addi %select_n3A_74, %add3A_121 : vector<16xi32>
      %gather3A = tpu.vector_load_idx %arg7[%add3A_77, %add3A_122] : memref<32x128xf32, #tpu.memory_space<vmem>>[vector<16xi32>, vector<16xi32>], vector<16xf32>,
      tpu.vector_store_idx %arg8[%add3A_77, %add3A_121], %gather3A : memref<32x64xf32, #tpu.memory_space<vmem>>[vector<16xi32>, vector<16xi32>], vector<16xf32>,
      %scan3A_123 = arith.constant 0 : i32
      scf.yield %scan3A_123 : i32
    }
    %scan3A_83 = arith.constant 64 : i32
    %get3A_84 = arith.constant 16 : index
    %get3A_85 = tpu.vector_load %arg5[%get3A_84] {strides = array<i32>} : memref<32xi32, #tpu.memory_space<vmem>>, vector<16xi32>,
    %convert_element_type3A_86 = arith.sitofp %get3A_85 : vector<16xi32> to vector<16xf32>
    %add3A_87 = arith.constant 5.000000e-01 : f32
    %add3A_88 = vector.broadcast %add3A_87 : f32 to vector<16xf32>
    %add3A_89 = arith.addf %convert_element_type3A_86, %add3A_88 : vector<16xf32>
    %mul3A_90 = arith.constant 2.500000e-04 : f32
    %mul3A_91 = vector.broadcast %mul3A_90 : f32 to vector<16xf32>
    %mul3A_92 = arith.mulf %add3A_89, %mul3A_91 : vector<16xf32>
    %convert_element_type3A_93 = arith.fptosi %mul3A_92 : vector<16xf32> to vector<16xi32>
    %mul3A_94 = arith.constant 4000 : i32
    %mul3A_95 = vector.broadcast %mul3A_94 : i32 to vector<16xi32>
    %mul3A_96 = arith.muli %convert_element_type3A_93, %mul3A_95 : vector<16xi32>
    %sub3A_97 = arith.subi %get3A_85, %mul3A_96 : vector<16xi32>
    %ge3A_98 = arith.constant 2000 : i32
    %ge3A_99 = vector.broadcast %ge3A_98 : i32 to vector<16xi32>
    %ge3A_100 = arith.cmpi sge, %sub3A_97, %ge3A_99 : vector<16xi32>
    %jit3A_101 = arith.constant 64 : i32
    %jit3A_102 = arith.constant 0 : i32
    %broadcast_in_dim3A_103 = vector.broadcast %jit3A_101 : i32 to vector<16xi32>
    %broadcast_in_dim3A_104 = vector.broadcast %jit3A_102 : i32 to vector<16xi32>
    %select_n3A_105 = arith.select %ge3A_100, %broadcast_in_dim3A_103, %broadcast_in_dim3A_104 : vector<16xi1>, vector<16xi32>
    %add3A_106 = arith.constant 16 : i32
    %add3A_107 = vector.broadcast %add3A_106 : i32 to vector<16xi32>
    %add3A_108 = arith.addi %iota3A, %add3A_107 : vector<16xi32>
    %scan3A_109 = arith.constant 0 : i32
    %scan3A_110 = arith.constant 0 : i32
    %scan3A_111 = arith.constant 64 : i32
    %scan3A_112 = arith.addi %scan3A_110, %scan3A_111 : i32
    %scan3A_113 = arith.constant 1 : i32
    %scan3A_114 = scf.for %scan3A_116 = %scan3A_110 to %scan3A_112 step %scan3A_113 iter_args(%scan3A_117 = %scan3A_109) -> (i32)  : i32 {
      %broadcast_in_dim3A_118 = arith.constant 0 : i32
      %broadcast_in_dim3A_119 = vector.broadcast %broadcast_in_dim3A_118 : i32 to vector<16xi32>
      %add3A_120 = vector.broadcast %scan3A_116 : i32 to vector<16xi32>
      %add3A_121 = arith.addi %broadcast_in_dim3A_119, %add3A_120 : vector<16xi32>
      %add3A_122 = arith.addi %select_n3A_105, %add3A_121 : vector<16xi32>
      %gather3A = tpu.vector_load_idx %arg7[%add3A_108, %add3A_122] : memref<32x128xf32, #tpu.memory_space<vmem>>[vector<16xi32>, vector<16xi32>], vector<16xf32>,
      tpu.vector_store_idx %arg8[%add3A_108, %add3A_121], %gather3A : memref<32x64xf32, #tpu.memory_space<vmem>>[vector<16xi32>, vector<16xi32>], vector<16xf32>,
      %scan3A_123 = arith.constant 0 : i32
      scf.yield %scan3A_123 : i32
    }
    %scan3A_115 = arith.constant 64 : i32
    "tpu.region"() ({
      %run_scoped3A = tpu.sem_alloc : memref<!tpu.dma_semaphore, #tpu.memory_space<semaphore_mem>>
      %dma_start3A_116 = arith.constant 0 : i32
      %dma_start3A_117 = tpu.memref_slice %arg4[%mul3A_2, %dma_start3A_116] : memref<1024x64xf32, #tpu.memory_space<hbm>> -> memref<32x64xf32, #tpu.memory_space<hbm>>
      %dma_start3A_118 = arith.constant 0 : i32
      %dma_start3A_119 = tpu.memref_slice %arg4[%mul3A_2, %dma_start3A_118] : memref<1024x64xf32, #tpu.memory_space<hbm>> -> memref<32x64xf32, #tpu.memory_space<hbm>>
      tpu.enqueue_dma source(%arg8 : memref<32x64xf32, #tpu.memory_space<vmem>>) target(%dma_start3A_119 : memref<32x64xf32, #tpu.memory_space<hbm>>) target_semaphore(%run_scoped3A : memref<!tpu.dma_semaphore, #tpu.memory_space<semaphore_mem>>)
      %dma_wait3A_120 = arith.constant 0 : i32
      %dma_wait3A_121 = tpu.memref_slice %arg4[%mul3A_2, %dma_wait3A_120] : memref<1024x64xf32, #tpu.memory_space<hbm>> -> memref<32x64xf32, #tpu.memory_space<hbm>>
      %dma_wait3A_122 = arith.constant 0 : i32
      %dma_wait3A_123 = tpu.memref_slice %arg4[%mul3A_2, %dma_wait3A_122] : memref<1024x64xf32, #tpu.memory_space<hbm>> -> memref<32x64xf32, #tpu.memory_space<hbm>>
      tpu.wait_dma2 semaphore(%run_scoped3A : memref<!tpu.dma_semaphore, #tpu.memory_space<semaphore_mem>>) src(%arg8 : memref<32x64xf32, #tpu.memory_space<vmem>>) dst(%dma_wait3A_123 : memref<32x64xf32, #tpu.memory_space<hbm>>)
      tpu.yield
    }) : () -> ()
    return
  }
}

module attributes {stable_mosaic.version = 14 : i64} {
  func.func @_tc_sumexp_body(%arg0: i32, %arg1: memref<64x1024xf32, #tpu.memory_space<vmem>>, %arg2: memref<4000x64xf32, #tpu.memory_space<vmem>>, %arg3: memref<1x1024xf32, #tpu.memory_space<vmem>>, %arg4: memref<1x1024xf32, #tpu.memory_space<vmem>>, %arg5: memref<2000x128xf32, #tpu.memory_space<vmem>>, %arg6: memref<64x1024xbf16, #tpu.memory_space<vmem>>) attributes {dimension_semantics = [#tpu.dimension_semantics<arbitrary>], iteration_bounds = array<i64: 25>, scalar_prefetch = 0 : i64, scratch_operands = 1 : i64, tpu.core_type = #tpu.core_type<tc>, window_params = [{pipeline_mode = #tpu.pipeline_mode<synchronous>, transform_indices = @transform_0, window_bounds = array<i64: 64, 1024>}, {transform_indices = @transform_1, window_bounds = array<i64: 4000, 64>}, {pipeline_mode = #tpu.pipeline_mode<synchronous>, transform_indices = @transform_2, window_bounds = array<i64: 1, 1024>}, {pipeline_mode = #tpu.pipeline_mode<synchronous>, transform_indices = @transform_3, window_bounds = array<i64: 1, 1024>}, {transform_indices = @transform_4, window_bounds = array<i64: 2000, 128>}]} {
    %eq3A = arith.constant 0 : i32
    %eq3A_0 = arith.cmpi eq, %arg0, %eq3A : i32
    %convert_element_type3A = arith.extui %eq3A_0 : i1 to i32
    %cond3A = arith.constant 0 : i32
    %cond3A_1 = arith.cmpi ne, %convert_element_type3A, %cond3A : i32
    scf.if %cond3A_1 {
      %get3A_22 = arith.constant 0 : index
      %get3A_23 = arith.constant 0 : index
      %get3A_24 = vector.load %arg1[%get3A_22, %get3A_23] : memref<64x1024xf32, #tpu.memory_space<vmem>>, vector<64x1024xf32>
      %mul3A = arith.mulf %get3A_24, %get3A_24 : vector<64x1024xf32>
      %reduce_sum3A_25 = arith.constant dense<0.000000e+00> : vector<1024xf32>
      %reduce_sum3A_26 = vector.multi_reduction <add>, %mul3A, %reduce_sum3A_25 [0] : vector<64x1024xf32> to vector<1024xf32>
      %broadcast_in_dim3A_27 = vector.shape_cast %reduce_sum3A_26 : vector<1024xf32> to vector<1x1024xf32>
      %max3A = arith.constant 1.000000e-24 : f32
      %max3A_28 = vector.broadcast %max3A : f32 to vector<1x1024xf32>
      %max3A_29 = arith.maximumf %broadcast_in_dim3A_27, %max3A_28 : vector<1x1024xf32>
      %rsqrt3A = math.rsqrt %max3A_29 : vector<1x1024xf32>
      %swap3A_30 = arith.constant 0 : index
      %swap3A_31 = arith.constant 0 : index
      %swap3A_32 = vector.load %arg4[%swap3A_30, %swap3A_31] : memref<1x1024xf32, #tpu.memory_space<vmem>>, vector<1x1024xf32>
      tpu.vector_store %arg4[%swap3A_30, %swap3A_31], %rsqrt3A {strides = array<i32>} : memref<1x1024xf32, #tpu.memory_space<vmem>>, vector<1x1024xf32>,
      %mul3A_33 = arith.constant 2.885390e+01 : f32
      %mul3A_34 = vector.broadcast %mul3A_33 : f32 to vector<1x1024xf32>
      %mul3A_35 = arith.mulf %rsqrt3A, %mul3A_34 : vector<1x1024xf32>
      %mul3A_36 = vector.broadcast %mul3A_35 : vector<1x1024xf32> to vector<64x1024xf32>
      %mul3A_37 = arith.mulf %get3A_24, %mul3A_36 : vector<64x1024xf32>
      %convert_element_type3A_38 = arith.truncf %mul3A_37 : vector<64x1024xf32> to vector<64x1024xbf16>
      %swap3A_39 = arith.constant 0 : index
      %swap3A_40 = arith.constant 0 : index
      %swap3A_41 = vector.load %arg6[%swap3A_39, %swap3A_40] : memref<64x1024xbf16, #tpu.memory_space<vmem>>, vector<64x1024xbf16>
      tpu.vector_store %arg6[%swap3A_39, %swap3A_40], %convert_element_type3A_38 {strides = array<i32>} : memref<64x1024xbf16, #tpu.memory_space<vmem>>, vector<64x1024xbf16>,
      %broadcast_in_dim3A_42 = arith.constant 0.000000e+00 : f32
      %broadcast_in_dim3A_43 = vector.broadcast %broadcast_in_dim3A_42 : f32 to vector<1x1024xf32>
      %swap3A_44 = arith.constant 0 : index
      %swap3A_45 = arith.constant 0 : index
      %swap3A_46 = vector.load %arg3[%swap3A_44, %swap3A_45] : memref<1x1024xf32, #tpu.memory_space<vmem>>, vector<1x1024xf32>
      tpu.vector_store %arg3[%swap3A_44, %swap3A_45], %broadcast_in_dim3A_43 {strides = array<i32>} : memref<1x1024xf32, #tpu.memory_space<vmem>>, vector<1x1024xf32>,
    } else {
    }
    %get3A = arith.constant 0 : index
    %get3A_2 = arith.constant 0 : index
    %get3A_3 = vector.load %arg2[%get3A, %get3A_2] : memref<4000x64xf32, #tpu.memory_space<vmem>>, vector<4000x64xf32>
    %slice3A = vector.extract_strided_slice %get3A_3 {offsets = [0, 0], sizes = [2000, 64], strides = [1, 1]} : vector<4000x64xf32> to vector<2000x64xf32>
    %swap3A = arith.constant 0 : index
    %swap3A_4 = arith.constant 0 : index
    %swap3A_5 = vector.load %arg5[%swap3A, %swap3A_4] : memref<2000x128xf32, #tpu.memory_space<vmem>>, vector<2000x64xf32>
    tpu.vector_store %arg5[%swap3A, %swap3A_4], %slice3A {strides = array<i32>} : memref<2000x128xf32, #tpu.memory_space<vmem>>, vector<2000x64xf32>,
    %slice3A_6 = vector.extract_strided_slice %get3A_3 {offsets = [2000, 0], sizes = [2000, 64], strides = [1, 1]} : vector<4000x64xf32> to vector<2000x64xf32>
    %swap3A_7 = arith.constant 0 : index
    %swap3A_8 = arith.constant 64 : index
    %swap3A_9 = vector.load %arg5[%swap3A_7, %swap3A_8] : memref<2000x128xf32, #tpu.memory_space<vmem>>, vector<2000x64xf32>
    tpu.vector_store %arg5[%swap3A_7, %swap3A_8], %slice3A_6 {strides = array<i32>} : memref<2000x128xf32, #tpu.memory_space<vmem>>, vector<2000x64xf32>,
    %convert_element_type3A_10 = arith.truncf %get3A_3 : vector<4000x64xf32> to vector<4000x64xbf16>
    %get3A_11 = arith.constant 0 : index
    %get3A_12 = arith.constant 0 : index
    %get3A_13 = vector.load %arg6[%get3A_11, %get3A_12] : memref<64x1024xbf16, #tpu.memory_space<vmem>>, vector<64x1024xbf16>
    %dot_general3A = arith.constant dense<0.000000e+00> : vector<4000x1024xf32>
    %dot_general3A_14 = tpu.matmul %convert_element_type3A_10, %get3A_13, %dot_general3A {dimension_numbers = #tpu.dot_dimension_numbers<[1], [0], [0], [1], [0, 0, 1, 1], [], []>, transpose_lhs_hint = false} : vector<4000x64xbf16>, vector<64x1024xbf16>, vector<4000x1024xf32> -> vector<4000x1024xf32>
    %exp23A = math.exp2 %dot_general3A_14 : vector<4000x1024xf32>
    %get3A_15 = arith.constant 0 : index
    %get3A_16 = arith.constant 0 : index
    %get3A_17 = vector.load %arg3[%get3A_15, %get3A_16] : memref<1x1024xf32, #tpu.memory_space<vmem>>, vector<1x1024xf32>
    %reduce_sum3A = arith.constant dense<0.000000e+00> : vector<1024xf32>
    %reduce_sum3A_18 = vector.multi_reduction <add>, %exp23A, %reduce_sum3A [0] : vector<4000x1024xf32> to vector<1024xf32>
    %broadcast_in_dim3A = vector.shape_cast %reduce_sum3A_18 : vector<1024xf32> to vector<1x1024xf32>
    %add3A = arith.addf %get3A_17, %broadcast_in_dim3A : vector<1x1024xf32>
    %swap3A_19 = arith.constant 0 : index
    %swap3A_20 = arith.constant 0 : index
    %swap3A_21 = vector.load %arg3[%swap3A_19, %swap3A_20] : memref<1x1024xf32, #tpu.memory_space<vmem>>, vector<1x1024xf32>
    tpu.vector_store %arg3[%swap3A_19, %swap3A_20], %add3A {strides = array<i32>} : memref<1x1024xf32, #tpu.memory_space<vmem>>, vector<1x1024xf32>,
    return
  }
  func.func @transform_0(%arg0: i32) -> (i32, i32) {
    %c0_i32 = arith.constant 0 : i32
    %c0_i32_0 = arith.constant 0 : i32
    %c0_i32_1 = arith.constant 0 : i32
    return %c0_i32, %c0_i32_0 : i32, i32
  }
  func.func @transform_1(%arg0: i32) -> (i32, i32) {
    %c0_i32 = arith.constant 0 : i32
    %c0_i32_0 = arith.constant 0 : i32
    return %arg0, %c0_i32 : i32, i32
  }
  func.func @transform_2(%arg0: i32) -> (i32, i32) {
    %c0_i32 = arith.constant 0 : i32
    %c0_i32_0 = arith.constant 0 : i32
    %c0_i32_1 = arith.constant 0 : i32
    return %c0_i32, %c0_i32_0 : i32, i32
  }
  func.func @transform_3(%arg0: i32) -> (i32, i32) {
    %c0_i32 = arith.constant 0 : i32
    %c0_i32_0 = arith.constant 0 : i32
    %c0_i32_1 = arith.constant 0 : i32
    return %c0_i32, %c0_i32_0 : i32, i32
  }
  func.func @transform_4(%arg0: i32) -> (i32, i32) {
    %c0_i32 = arith.constant 0 : i32
    %c0_i32_0 = arith.constant 0 : i32
    return %arg0, %c0_i32 : i32, i32
  }
}

module attributes {stable_mosaic.version = 14 : i64} {
  func.func @_tc_combine_body(%arg0: memref<1x1024xf32, #tpu.memory_space<vmem>>, %arg1: memref<1x1024xf32, #tpu.memory_space<vmem>>, %arg2: memref<64x1024xf32, #tpu.memory_space<vmem>>, %arg3: memref<64x1024xf32, #tpu.memory_space<vmem>>, %arg4: memref<1x1xf32, #tpu.memory_space<vmem>>) attributes {dimension_semantics = [], scalar_prefetch = 0 : i64, scratch_operands = 0 : i64, tpu.core_type = #tpu.core_type<tc>} {
    %get3A = arith.constant 0 : index
    %get3A_0 = arith.constant 0 : index
    %get3A_1 = vector.load %arg2[%get3A, %get3A_0] : memref<64x1024xf32, #tpu.memory_space<vmem>>, vector<64x1024xf32>
    %get3A_2 = arith.constant 0 : index
    %get3A_3 = arith.constant 0 : index
    %get3A_4 = vector.load %arg3[%get3A_2, %get3A_3] : memref<64x1024xf32, #tpu.memory_space<vmem>>, vector<64x1024xf32>
    %mul3A = arith.mulf %get3A_1, %get3A_4 : vector<64x1024xf32>
    %get3A_5 = arith.constant 0 : index
    %get3A_6 = arith.constant 0 : index
    %get3A_7 = vector.load %arg1[%get3A_5, %get3A_6] : memref<1x1024xf32, #tpu.memory_space<vmem>>, vector<1x1024xf32>
    %mul3A_8 = vector.broadcast %get3A_7 : vector<1x1024xf32> to vector<64x1024xf32>
    %mul3A_9 = arith.mulf %mul3A, %mul3A_8 : vector<64x1024xf32>
    %reduce_sum3A = vector.shape_cast %mul3A_9 : vector<64x1024xf32> to vector<1x64x1024xf32>
    %reduce_sum3A_10 = arith.constant dense<0.000000e+00> : vector<1xf32>
    %reduce_sum3A_11 = vector.multi_reduction <add>, %reduce_sum3A, %reduce_sum3A_10 [1, 2] : vector<1x64x1024xf32> to vector<1xf32>
    %reduce_sum3A_12 = vector.shape_cast %reduce_sum3A_11 : vector<1xf32> to vector<1x1x1xf32>
    %reduce_sum3A_13 = vector.extract %reduce_sum3A_12[0, 0, 0] : f32 from vector<1x1x1xf32>
    %broadcast_in_dim3A = vector.broadcast %reduce_sum3A_13 : f32 to vector<1x1xf32>
    %get3A_14 = arith.constant 0 : index
    %get3A_15 = arith.constant 0 : index
    %get3A_16 = vector.load %arg0[%get3A_14, %get3A_15] : memref<1x1024xf32, #tpu.memory_space<vmem>>, vector<1x1024xf32>
    %log3A = math.log %get3A_16 : vector<1x1024xf32>
    %reduce_sum3A_17 = vector.shape_cast %log3A : vector<1x1024xf32> to vector<1x1x1024xf32>
    %reduce_sum3A_18 = arith.constant dense<0.000000e+00> : vector<1xf32>
    %reduce_sum3A_19 = vector.multi_reduction <add>, %reduce_sum3A_17, %reduce_sum3A_18 [1, 2] : vector<1x1x1024xf32> to vector<1xf32>
    %reduce_sum3A_20 = vector.shape_cast %reduce_sum3A_19 : vector<1xf32> to vector<1x1x1xf32>
    %reduce_sum3A_21 = vector.extract %reduce_sum3A_20[0, 0, 0] : f32 from vector<1x1x1xf32>
    %broadcast_in_dim3A_22 = vector.broadcast %reduce_sum3A_21 : f32 to vector<1x1xf32>
    %mul3A_23 = arith.constant 2.000000e+01 : f32
    %mul3A_24 = vector.broadcast %mul3A_23 : f32 to vector<1x1xf32>
    %mul3A_25 = arith.mulf %broadcast_in_dim3A, %mul3A_24 : vector<1x1xf32>
    %sub3A = arith.subf %broadcast_in_dim3A_22, %mul3A_25 : vector<1x1xf32>
    %mul3A_26 = arith.constant 9.765625E-4 : f32
    %mul3A_27 = vector.broadcast %mul3A_26 : f32 to vector<1x1xf32>
    %mul3A_28 = arith.mulf %sub3A, %mul3A_27 : vector<1x1xf32>
    %swap3A = arith.constant 0 : index
    %swap3A_29 = arith.constant 0 : index
    %swap3A_30 = vector.load %arg4[%swap3A, %swap3A_29] : memref<1x1xf32, #tpu.memory_space<vmem>>, vector<1x1xf32>
    tpu.vector_store %arg4[%swap3A, %swap3A_29], %mul3A_28 {strides = array<i32>} : memref<1x1xf32, #tpu.memory_space<vmem>>, vector<1x1xf32>,
    return
  }
}

</mosaic_0001>

<sc_bundles>
// kernel: kernel.5.cloned.1.call-start
scs
__scs_entry_jumppad:
0x0: {  	(pc) =	sbr.rel $0x88, $3  }
0x1: {  	(tag) =	ssettag $0x0;
	lr =	simm.s32 $0x1  }
0x2: {  	[smem:$0x3F9E] =	sst lr;
	_ =	strace $0xD0000000  }
0x3: {  	_ = 	snop  }
0x4: {  	_ = 	snop  }
0x5: {  	_ = 	snop  }
0x6: {  	_ = 	snop  }
0x7: {  	_ = 	snop  }
__scs_overlays_trampoline_lowered:
0x8: {  	[smem:$0x3FAD] =	sst s0  }
0x9: {  	[smem:$0x3FAE] =	sst s1  }
0xa: {  	[smem:$0x3FAF] =	sst s2  }
0xb: {  	[smem:$0x3FB0] =	sst s3  }
0xc: {  	[smem:$0x3FB1] =	sst s4  }
0xd: {  	[smem:$0x3FB2] =	sst s5  }
0xe: {  	[smem:$0x3FB3] =	sst s6  }
0xf: {  	[smem:$0x3FB4] =	sst s7  }
0x10: {  	[smem:$0x3FB5] =	sst s8  }
0x11: {  	[smem:$0x3FB6] =	sst s9;
	s0 =	simm.s32 @!p0 $0x0  }
0x12: {  	s1 =	sld [smem:$0x3F9C];
	s0 =	simm.s32 @p0 $0x1  }
0x13: {  	[smem:$0x3FB7] =	sst s0;
	s0 =	simm.s32 @!p1 $0x0  }
0x14: {  	s2 =	sld [smem:$0x3F9B];
	s0 =	simm.s32 @p1 $0x1  }
0x15: {  	[smem:$0x3FB8] =	sst s0;
	s0 =	simm.s32 @!p2 $0x0  }
0x16: {  	s3 =	sld [smem:$0x3FDB];
	s0 =	simm.s32 @p2 $0x1  }
0x17: {  	s4 =	simm.s32 $0x1BF5;
	[smem:$0x3FBA] =	sst s0  }
0x18: {  	s0 =	sld [smem:$0x3F9D];
	_ =	swait.ge [sflag:s4], $0x0  }
0x19: {  	s7 =	sld [smem:$0x3F9E]  }
0x1a: {  	s8 =	sadd.s32 $0xFFFFE003, lr  }
0x1b: {  	s9 =	sadd.s32 $0xFFFFFEF7, lr;
	s5 =	simm.s32 $0xFFFFFFFF;
	p2 =	slt.u32 s8, $0xFFFFF086  }
0x1c: {  	p1 =	slt.u32 s9, $0xF7A;
	s5 =	simm.s32 @!p2 $0x0  }
0x1d: {  	s5 =	simm.s32 @p1 $0x1;
	p0 =	seq.s32 s7, s2  }
0x1e: {  	s7 =	smul.u32 @!p0 $0xF7A, s2;
	p2 =	seq.s32 @!p0 s5, $0x0  }
0x1f: {  	s9 =	smul.u32 $0xF7A, s1;
	s8 =	simm.s32 @!p0 $0x1BF5;
	p2 =	por !p2, p0  }
0x20: {  	[sflag:s8] =	ssyncset.s32 @!p0 $0xFFFFF086;
	s6 =	sadd.s32 @!p0 s3, s7;
	s7 =	simm.s32 @!p0 $0x108  }
0x21: {  	s3 =	sadd.s32 s3, s9;
	s6 =	sadd.s32 @!p0 $0x88, s6;
	s7 =	simm.s32 @p2 $0x1082  }
0x22: {  	[simem:s7], [sflag:s8] =	dma.local @!p0 [hbm:s6], $0xF7A  }
0x23: {  	s9 =	sor.u32 $0xD0000000, s2;
	s6 =	simm.s32 $0x108;
	_ =	swait.ge @!p0 [sflag:s8], $0x0  }
0x24: {  	s3 =	sadd.s32 $0x88, s3;
	s6 =	simm.s32 @!p1 $0x1082;
	[sflag:s4] =	ssyncset.s32 $0xFFFFF086  }
0x25: {  	[simem:s6], [sflag:s4] =	dma.local [hbm:s3], $0xF7A  }
0x26: {  	[smem:$0x3F9E] =	sst s1;
	(tag) =	ssettag s2;
	_ =	strace s9  }
0x27: {  	s1 =	sld [smem:$0x3FAE]  }
0x28: {  	s2 =	sld [smem:$0x3FAF]  }
0x29: {  	s4 =	sld [smem:$0x3FB1]  }
0x2a: {  	p0 =	seq.s32 s5, $0x0;
	s5 =	sld [smem:$0x3FB2]  }
0x2b: {  	s6 =	sld [smem:$0x3FB3]  }
0x2c: {  	s7 =	sld [smem:$0x3FB4]  }
0x2d: {  	s3 =	simm.s32 $0x108;
	s8 =	sld [smem:$0x3FB5]  }
0x2e: {  	s3 =	simm.s32 @!p0 $0x1082;
	s9 =	sld [smem:$0x3FB6]  }
0x2f: {  	lr =	sadd.s32 s0, s3;
	s0 =	sld [smem:$0x3FAD]  }
0x30: {  	s3 =	sld [smem:$0x3FB0]  }
0x31: {  	[smem:$0x3FB9] =	sst s10  }
0x32: {  	s10 =	sld [smem:$0x3FB7];
	_ =	sdelay $0x3  }
0x33: {  	p0 =	seq.s32 s10, $0x1;
	s10 =	sld [smem:$0x3FB9];
	_ =	sdelay $0x3  }
0x34: {  	[smem:$0x3FB9] =	sst s10  }
0x35: {  	s10 =	sld [smem:$0x3FB8];
	_ =	sdelay $0x3  }
0x36: {  	p1 =	seq.s32 s10, $0x1;
	s10 =	sld [smem:$0x3FB9];
	_ =	sdelay $0x3  }
0x37: {  	[smem:$0x3FB9] =	sst s10  }
0x38: {  	s10 =	sld [smem:$0x3FBA]  }
0x39: {  	_ = 	snop;
	(pc) =	sbr.ind lr, $3  }
0x3a: {  	_ = 	snop  }
0x3b: {  	_ = 	snop  }
0x3c: {  	p2 =	seq.s32 s10, $0x1;
	s10 =	sld [smem:$0x3FB9]  }
0x3d: {  	_ =	shalt  }
0x3e: {  	_ =	shalt  }
0x3f: {  	_ =	shalt  }
0x40: {  	_ =	shalt  }
0x41: {  	_ =	shalt  }
0x42: {  	_ =	shalt  }
0x43: {  	_ =	shalt  }
0x44: {  	_ =	shalt  }
0x45: {  	_ =	shalt  }
0x46: {  	_ =	shalt  }
0x47: {  	_ =	shalt  }
0x48: {  	_ =	shalt  }
0x49: {  	_ =	shalt  }
0x4a: {  	_ =	shalt  }
0x4b: {  	_ =	shalt  }
0x4c: {  	_ =	shalt  }
0x4d: {  	_ =	shalt  }
0x4e: {  	_ =	shalt  }
0x4f: {  	_ =	shalt  }
0x50: {  	_ =	shalt  }
0x51: {  	_ =	shalt  }
0x52: {  	_ =	shalt  }
0x53: {  	_ =	shalt  }
0x54: {  	_ =	shalt  }
0x55: {  	_ =	shalt  }
0x56: {  	_ =	shalt  }
0x57: {  	_ =	shalt  }
0x58: {  	_ =	shalt  }
0x59: {  	_ =	shalt  }
0x5a: {  	_ =	shalt  }
0x5b: {  	_ =	shalt  }
0x5c: {  	_ =	shalt  }
0x5d: {  	_ =	shalt  }
0x5e: {  	_ =	shalt  }
0x5f: {  	_ =	shalt  }
0x60: {  	_ =	shalt  }
0x61: {  	_ =	shalt  }
0x62: {  	_ =	shalt  }
0x63: {  	_ =	shalt  }
0x64: {  	_ =	shalt  }
0x65: {  	_ =	shalt  }
0x66: {  	_ =	shalt  }
0x67: {  	_ =	shalt  }
0x68: {  	_ =	shalt  }
0x69: {  	_ =	shalt  }
0x6a: {  	_ =	shalt  }
0x6b: {  	_ =	shalt  }
0x6c: {  	_ =	shalt  }
0x6d: {  	_ =	shalt  }
0x6e: {  	_ =	shalt  }
0x6f: {  	_ =	shalt  }
0x70: {  	_ =	shalt  }
0x71: {  	_ =	shalt  }
0x72: {  	_ =	shalt  }
0x73: {  	_ =	shalt  }
0x74: {  	_ =	shalt  }
0x75: {  	_ =	shalt  }
0x76: {  	_ =	shalt  }
0x77: {  	_ =	shalt  }
0x78: {  	_ =	shalt  }
0x79: {  	_ =	shalt  }
0x7a: {  	_ =	shalt  }
0x7b: {  	_ =	shalt  }
0x7c: {  	_ =	shalt  }
0x7d: {  	_ =	shalt  }
0x7e: {  	_ =	shalt  }
0x7f: {  	_ =	shalt  }
0x80: {  	_ =	shalt  }
0x81: {  	_ =	shalt  }
0x82: {  	_ =	shalt  }
0x83: {  	_ =	shalt  }
0x84: {  	_ =	shalt  }
0x85: {  	_ =	shalt  }
0x86: {  	_ =	shalt  }
0x87: {  	_ =	shalt  }
.Lfunc_end0:
.L_simem_size_0:
called_computation_lowered:
.L_overlay_start_0:
0x88: {  	s2 =	sld [smem:$0x3FD9]  }
0x89: {  	s3 =	sld [smem:$0x3FFE];
	_ =	sdelay $0x1  }
0x8a: {  	s1 =	srdreg.scid  }
0x8b: {  	s0 =	sand.u32 $0x1, s1  }
0x8c: {  	s17 =	sshll.u32 s0, $0xA;
	s2 =	sadd.s32 s3, s2  }
0x8d: {  	s2 =	sadd.s32 s2, s17  }
0x8e: {  	[smem:$0x3FC5] =	sst s2  }
0x8f: {  	_ = 	snop  }
0x90: {  	s2 =	sld [smem:$0x3FC7];
	(tm) =	ssettm $0x1  }
0x91: {  	s18 =	sld [smem:$0x3FFB];
	_ =	sdelay $0x3  }
0x92: {  	_ =	strace s18  }
0x93: {  	s3 =	sld [smem:$0x3FFC];
	_ =	sdelay $0x3  }
0x94: {  	_ =	strace s3  }
0x95: {  	s3 =	sld [smem:$0x3FFD];
	_ =	sdelay $0x3  }
0x96: {  	_ =	strace s3  }
0x97: {  	_ =	strace $0x8FFFFFFF  }
0x98: {  	s19 =	sld [smem:$0x3FDB];
	_ =	sdelay $0x1  }
0x99: {  	s4 =	simm.s32 $_scs_section_size  }
0x9a: {  	s5 =	simm.s32 $_size__tile_overlayer_lowered;
	s6 =	simm.s32 $_tile_overlayer_lowered  }
0x9b: {  	s22 =	simm.s32 $0x1BFF;
	s21 =	sshll.u32 s6, $0x1;
	s3 =	sadd.s32 s4, s19  }
0x9c: {  	s7 =	simm.s32 $0x0;
	s20 =	sshll.u32 s5, $0x1;
	s5 =	sadd.s32 s21, s3  }
0x9d: {  	[timem:s7], [sflag:s22] =	dma.local [hbm:s5], s20  }
0x9e: {  	_ =	swait.ge [sflag:s22], s20  }
0x9f: {  	s4 =	ssub.s32 $0x0, s20;
	[sflag:s22] =	ssyncset.done $0x0  }
0xa0: {  	[sflag:s22] =	ssyncadd.s32 s4;
	_ =	sdelay $0x1  }
0xa1: {  	s23 =	simm.s32 $0x1B8B  }
0xa2: {  	_ =	swait.ge [sflag:s23], $0x1  }
0xa3: {  	[sflag:s23] =	ssyncset.done $0x0  }
0xa4: {  	s25 =	simm.s32 $0x1B8E;
	s24 =	sld [smem:$0x3FFE];
	[sflag:s23] =	ssyncadd.s32 $0xFFFFFFFF  }
0xa5: {  	s26 =	simm.s32 $execute0_lowered;
	[smem:$0x3FD2] =	sst s25  }
0xa6: {  	s5 =	sshll.u32 s26, $0x1;
	_ =	strace $0x80000046;
	[dreg:$0x1] =	wrdreg $0xFFFFFFFF  }
0xa7: {  	s28 =	simm.s32 $_size_execute0_lowered;
	s3 =	sadd.s32 s3, s5;
	[dreg:$0x0] =	wrdreg $0x0  }
0xa8: {  	s5 =	sshll.u32 s28, $0x1;
	[dreg:$0x2] =	wrdreg s3  }
0xa9: {  	[dreg:$0x3] =	wrdreg s5  }
0xaa: {  	[dreg:$0x4] =	wrdreg $0xC0  }
0xab: {  	_ =	task [dreg:s7], $0x5FFFF  }
0xac: {  	[dreg:$0x1] =	wrdreg $0xFFFFFFFF  }
0xad: {  	[dreg:$0x0] =	wrdreg $0x60  }
0xae: {  	[dreg:$0x2] =	wrdreg s24  }
0xaf: {  	[dreg:$0x3] =	wrdreg s2  }
0xb0: {  	[dreg:$0x4] =	wrdreg $0x9  }
0xb1: {  	_ =	task.clear_ibuf [dreg:s7], $0x5FFFF;
	_ =	strace $0x90000046  }
0xb2: {  	s29 =	simm.s32 $0x9;
	_ =	strace $0x80000048  }
0xb3: {  	_ =	swait.ge [sflag:s29], $0x1  }
0xb4: {  	[sflag:s29] =	ssyncadd.s32 $0xFFFFFFFF  }
0xb5: {  	_ =	strace $0x90000048  }
0xb6: {  	_ =	sfence  }
0xb7: {  	s30 =	sld [smem:$0x0];
	_ =	sdelay $0x2  }
0xb8: {  	s31 =	sshll.u32 s1, $0xD;
	s1 =	sshrl.u32 s1, $0x2  }
0xb9: {  	s3 =	sand.u32 $0x4000, s31;
	s1 =	sadd.s32 s1, s30  }
0xba: {  	s0 =	sor.u32 s3, s0;
	s1 =	sshll.u32 s1, $0x11  }
0xbb: {  	s0 =	sor.u32 s1, s0  }
0xbc: {  	s0 =	sadd.s32 $0x8F2B, s0  }
0xbd: {  	[sflag:s0] =	ssyncadd.remote.s32 $0x1  }
0xbe: {  	_ =	sfence.sel $0xFFFF  }
0xbf: {  	[dreg:$0x0] =	wrdreg $0xFFFFFFFF;
	(pc) =	sbr.abs _section_cstart, $3  }
0xc0: {  	[dreg:$0x1] =	wrdreg $0xFFFFFFFF  }
0xc1: {  	_ =	task.clear_ibuf [dreg:s7], $0x2FFFF;
	_ =	strace $0x9FFFFFFF  }
0xc2: {  	(tm) =	ssettm $0x7FFFFFFF  }
0xc3: {  	_ =	shalt  }
tec
execute0_lowered:
.L_overlay_start_1:
0x0: {  	(tag) =	ssettag $0x1  }
0x1: {  	s4 =	rddreg [dreg:$0x0]  }
0x2: {  	s5 =	rddreg [dreg:$0x1]  }
0x3: {  	s0 =	rddreg [dreg:$0x2];
	s2 =	simm.s32 $0x0;
	s3 =	srdreg.scid  }
0x4: {  	s1 =	stileid.u32;
	s10 =	simm.s32 $0x100;
	s11 =	simm.s32 $0x1  }
0x5: {  	s12 =	simm.s32 $0x1100;
	s13 =	simm.s32 $0x0;
	s6 =	sand.u32 $0x1, s3  }
0x6: {  	[smem:$0x7FF] =	sst s2;
	s7 =	sshll.u32 s1, $0x6;
	s8 =	sshll.u32 s6, $0x5  }
0x7: {  	s3 =	sadd.s32 $0x187200, s4;
	s6 =	ssub.s32 $0x2, s6;
	s7 =	sor.u32 s8, s7  }
0x8: {  	v0 =	vlaneseq.u32;
	_ =	strace $0x80000047;
	s9 =	sshrl.u32 s6, $0x1;
	s8 =	sshll.u32 s7, $0x4  }
0x9: {  	v0 =	vmul.u32 $0x80, v0;
	s7 =	sshrl.u32 s7, $0x3;
	s6 =	ssub.s32 s6, s9;
	s9 =	simm.s32 $0x80  }
0xa: {  	s8 =	sadd.s32 s8, s4;
	s4 =	sadd.s32 s5, s7;
	s6 =	smax.u32 s6, $0x1  }
0xb: {  	v1 =	vor.u32 $0x40, v0;
	v2 =	vor.u32 $0x800, v0;
	v3 =	vor.u32 $0x840, v0;
	s7 =	simm.s32 $0x2;
	s5 =	sadd.s32 $0x800, s8;
	s8 =	simm.s32 $0x20  }
.LBB2_1:
0xc: {  	[tilespmem:s2], [sflag:$0x2] =	stream.linear.gather [hbm4b:s4+s2], $0x20, $0x38;
	[tilespmem:$0x2100] =	vst v63  }
0xd: {  	_ =	swait.ge [sflag:s7], $0x20  }
0xe: {  	[sflag:s7] =	ssyncset.done $0x0  }
0xf: {  	[sflag:s7] =	ssyncadd.s32 $0xFFFFFFE0  }
0x10: {  	v4 =	vld [tilespmem:$0x0];
	_ =	sdelay $0x1  }
0x11: {  	v5 =	vld [tilespmem:$0x10];
	_ =	sdelay $0x2  }
0x12: {  	v6 =	vcvt.s32.f32 v4;
	_ =	sdelay $0x1  }
0x13: {  	v7 =	vcvt.s32.f32 v5;
	v6 =	vadd.f32 $5.000000000e-01, v6;
	_ =	sdelay $0x1  }
0x14: {  	v7 =	vadd.f32 $5.000000000e-01, v7;
	v6 =	vmul.f32 $2.500000120e-04, v6;
	_ =	sdelay $0x1  }
0x15: {  	v7 =	vmul.f32 $2.500000120e-04, v7;
	v6 =	vtrunc.f32 v6  }
0x16: {  	v6 =	vcvt.f32.s32 v6  }
0x17: {  	v7 =	vtrunc.f32 v7  }
0x18: {  	v7 =	vcvt.f32.s32 v7;
	v8 =	vmul.u32 $0xFFFFF060, v6;
	_ =	sdelay $0x1  }
0x19: {  	v4 =	vadd.s32 v4, v8;
	v8 =	vmul.u32 $0xFFFFF060, v7  }
0x1a: {  	v6 =	vmul.u32 $0x7D0, v6;
	v7 =	vmul.u32 $0x7D0, v7  }
0x1b: {  	vm0 =	vgt.s32 v4, $0x7CF;
	v9 =	vadd.s32 $0xFFFFF830, v4;
	v5 =	vadd.s32 v5, v8  }
0x1c: {  	v4 =	vsel vm0, v9, v4;
	vm14 =	vgt.s32 v5, $0x7CF;
	v8 =	vadd.s32 $0xFFFFF830, v5  }
0x1d: {  	v4 =	vadd.s32 v6, v4;
	v5 =	vsel vm14, v8, v5  }
0x1e: {  	[tilespmem:$0x80] =	vst v4;
	v4 =	vadd.s32 v7, v5  }
0x1f: {  	[tilespmem:$0x90] =	vst v4  }
0x20: {  	[tilespmem:s10], [sflag:$0x1] =	stream.indirect.gather [hbm4b:s3+s8], $0x80, s9, s8, $0xb8;
	[tilespmem:$0x2100] =	vst v63  }
0x21: {  	_ =	swait.ge [sflag:s11], $0x1000  }
0x22: {  	[sflag:s11] =	ssyncset.done $0x0  }
0x23: {  	[sflag:s11] =	ssyncadd.s32 $0xFFFFF000  }
0x24: {  	v4 =	vld [tilespmem:$0x0];
	_ =	sdelay $0x4  }
0x25: {  	v5 =	vcvt.s32.f32 v4;
	_ =	sdelay $0x1  }
0x26: {  	v5 =	vadd.f32 $5.000000000e-01, v5;
	_ =	sdelay $0x1  }
0x27: {  	v5 =	vmul.f32 $2.500000120e-04, v5;
	_ =	sdelay $0x1  }
0x28: {  	v5 =	vtrunc.f32 v5  }
0x29: {  	v5 =	vcvt.f32.s32 v5;
	_ =	sdelay $0x1  }
0x2a: {  	v5 =	vmul.u32 $0xFFFFF060, v5;
	_ =	sdelay $0x1  }
0x2b: {  	v4 =	vadd.s32 v4, v5  }
0x2c: {  	vm15 =	vgt.s32 v4, $0x7CF  }
0x2d: {  	v4 =	vsel vm15, v1, v0  }
0x2e: {  	v5 =	vor.u32 s2, v4;
	_ =	sdelay $0x4  }
0x2f: {  	s14 =	simm.s32 $0x1;
	v6 =	vor.u32 s2, v0;
	v5 =	vld.idx.msk [tilespmem:v5+s10+$0x0], $0xffff  }
0x30: {  	s15 =	simm.s32 $0x2;
	v7 =	vor.u32 s14, v4  }
.LBB2_2:
0x31: {  	p0 =	sne.s32 s15, $0x3F;
	_ =	sdelay $0x1  }
.Ltmp0:
0x32: {  	(pc) =	sbr.rel @p0 .LBB2_2-.Ltmp0, $4  }
0x33: {  	[tilespmem:v6+s12+$0x0] =	vst.idx.msk $0xffff, v5  }
0x34: {  	v5 =	vld.idx.msk [tilespmem:v7+s10+$0x0], $0xffff  }
0x35: {  	v6 =	vor.u32 s14, v0;
	s14 =	smov.u32 s15  }
0x36: {  	s15 =	sadd.s32 $0x1, s15;
	v7 =	vor.u32 s14, v4  }
0x37: {  	_ =	sdelay $0x3  }
0x38: {  	[tilespmem:v6+s12+$0x0] =	vst.idx.msk $0xffff, v5  }
0x39: {  	v5 =	vor.u32 s14, v0;
	v4 =	vld.idx.msk [tilespmem:v7+s10+$0x0], $0xffff;
	_ =	sdelay $0x4  }
0x3a: {  	[tilespmem:v5+s12+$0x0] =	vst.idx.msk $0xffff, v4  }
0x3b: {  	v4 =	vld [tilespmem:$0x10];
	_ =	sdelay $0x4  }
0x3c: {  	v5 =	vcvt.s32.f32 v4;
	_ =	sdelay $0x1  }
0x3d: {  	v5 =	vadd.f32 $5.000000000e-01, v5;
	_ =	sdelay $0x1  }
0x3e: {  	v5 =	vmul.f32 $2.500000120e-04, v5;
	_ =	sdelay $0x1  }
0x3f: {  	v5 =	vtrunc.f32 v5  }
0x40: {  	v5 =	vcvt.f32.s32 v5;
	_ =	sdelay $0x1  }
0x41: {  	v5 =	vmul.u32 $0xFFFFF060, v5;
	_ =	sdelay $0x1  }
0x42: {  	v4 =	vadd.s32 v4, v5  }
0x43: {  	vm0 =	vgt.s32 v4, $0x7CF  }
0x44: {  	s15 =	simm.s32 $0x0;
	v4 =	vsel vm0, v3, v2  }
0x45: {  	v5 =	vor.u32 s15, v4;
	_ =	sdelay $0x4  }
0x46: {  	s14 =	simm.s32 $0x1;
	v6 =	vor.u32 s15, v2;
	v5 =	vld.idx.msk [tilespmem:v5+s10+$0x0], $0xffff  }
0x47: {  	v7 =	vor.u32 s14, v4;
	s15 =	simm.s32 $0x2  }
.LBB2_4:
0x48: {  	p0 =	sne.s32 s15, $0x3F;
	_ =	sdelay $0x1  }
.Ltmp1:
0x49: {  	(pc) =	sbr.rel @p0 .LBB2_4-.Ltmp1, $4  }
0x4a: {  	[tilespmem:v6+s12+$0x0] =	vst.idx.msk $0xffff, v5  }
0x4b: {  	v5 =	vld.idx.msk [tilespmem:v7+s10+$0x0], $0xffff  }
0x4c: {  	v6 =	vor.u32 s14, v2;
	s14 =	smov.u32 s15  }
0x4d: {  	s15 =	sadd.s32 $0x1, s15;
	v7 =	vor.u32 s14, v4  }
0x4e: {  	_ =	sdelay $0x3  }
0x4f: {  	[tilespmem:v6+s12+$0x0] =	vst.idx.msk $0xffff, v5  }
0x50: {  	v5 =	vor.u32 s14, v2;
	v4 =	vld.idx.msk [tilespmem:v7+s10+$0x0], $0xffff;
	_ =	sdelay $0x2  }
0x51: {  	s13 =	sadd.s32 $0x1, s13  }
0x52: {  	p0 =	sne.s32 s13, s6  }
.Ltmp2:
0x53: {  	[tilespmem:v5+s12+$0x0] =	vst.idx.msk $0xffff, v4;
	(pc) =	sbr.rel @p0 .LBB2_1-.Ltmp2, $4  }
0x54: {  	[hbm4b:s5+s2] =	stream.linear.scatter [tilespmem:s12], [sflag:$0x2], $0x1000, $0x38;
	[tilespmem:$0x2100] =	vst v63  }
0x55: {  	_ =	swait.ge [sflag:s7], $0x1000  }
0x56: {  	[sflag:s7] =	ssyncset.done $0x0  }
0x57: {  	[sflag:s7] =	ssyncadd.s32 $0xFFFFF000  }
0x58: {  	_ =	sfence.sel $0x180000  }
0x59: {  	[bflag:$0x0] =	sbarrier.arrive $0xFFFF  }
0x5a: {  	p0 =	sne.s32 s1, $0x0;
	_ =	strace $0x90000047  }
0x5b: {  	s0 =	sadd.s32 @!p0 $0x100000, s0;
	[bflag:$0x2] =	sbarrier.arrive $0xFFFF  }
0x5c: {  	[sflag:s0] =	ssyncadd.tile.s32 @!p0 $0x1;
	_ =	shalt  }
.Lfunc_end2:
_tile_overlayer_lowered:
.L_overlay_start_2:
0x5d: {  	(tag) =	ssettag $0x2  }
0x5e: {  	s0 =	rddreg [dreg:$0x0];
	s2 =	stileid.u32  }
0x5f: {  	s1 =	rddreg [dreg:$0x1];
	p0 =	sne.s32 s2, $0x0  }
0x60: {  	s3 =	rddreg [dreg:$0x2];
	[bflag:$0x3] =	sbarrier.arrive $0xFFFF;
	s2 =	simm.s32 @!p0 $0x1C02  }
0x61: {  	[timem:s3], [sflag:s2] =	dma.local @!p0 [hbm:s0], s1  }
0x62: {  	s0 =	simm.s32 @!p0 $0x2  }
0x63: {  	_ =	swait.ge @!p0 [sflag:s0], s1  }
0x64: {  	s1 =	ssub.s32 @!p0 $0x0, s1;
	[sflag:s0] =	ssyncset.done @!p0 $0x0  }
0x65: {  	[sflag:s0] =	ssyncadd.s32 @!p0 s1  }
0x66: {  	[bflag:$0x3] =	sbarrier.arrive $0xFFFF  }
0x67: {  	_ =	shalt  }

</sc_bundles>
